<compile_context>
chip_gen: v7x
topology: tpu7x:2x2x1
jax: 0.10.2.dev20260603
libtpu: 0.0.44.dev20260713+nightly
codegen_flags: <defaults>
</compile_context>

<pallas_src>
import functools

import jax
import jax.numpy as jnp
from jax import lax
from jax.experimental import pallas as pl
from jax.experimental.pallas import tpu as pltpu
from jax.experimental.pallas import tpu_sc as plsc

_N = 100000
_T = 128
_MAX_TIME = 1000.0
_L = 16
_NC = 2
_NS = 16
_NW = _NC * _NS
_CHUNK = 3136
_HALF = _CHUNK // 2

_mesh = plsc.VectorSubcoreMesh(core_axis_name="c", subcore_axis_name="s")


@functools.partial(
    pl.kernel,
    mesh=_mesh,
    out_type=jax.ShapeDtypeStruct((_N,), jnp.float32),
    scratch_types=[
        pltpu.VMEM((_CHUNK,), jnp.float32),
        pltpu.VMEM((_T,), jnp.float32),
        pltpu.VMEM((_CHUNK,), jnp.float32),
        pltpu.SemaphoreType.DMA,
        pltpu.SemaphoreType.DMA,
        pltpu.SemaphoreType.DMA,
    ],
    compiler_params=pltpu.CompilerParams(needs_layout_passes=False),
)
def _temporal_encode(ts_hbm, enc_hbm, out_hbm, ts_v, enc_v, out_v,
                     sem_enc, sem_a, sem_b):
    wid = lax.axis_index("s") * _NC + lax.axis_index("c")
    base = jnp.minimum(wid * _CHUNK, _N - _CHUNK)
    base = pl.multiple_of(base, 8)
    cp_enc = pltpu.async_copy(enc_hbm, enc_v, sem_enc)
    cp_a = pltpu.async_copy(
        ts_hbm.at[pl.ds(base, _HALF)], ts_v.at[pl.ds(0, _HALF)], sem_a)
    cp_b = pltpu.async_copy(
        ts_hbm.at[pl.ds(base + _HALF, _HALF)], ts_v.at[pl.ds(_HALF, _HALF)],
        sem_b)
    cp_enc.wait()
    cp_a.wait()

    max_time = jnp.float32(_MAX_TIME)
    scale = jnp.float32(_T)

    @plsc.parallel_loop(0, _HALF, _L, unroll=14)
    def body_a(i):
        ts = ts_v[pl.ds(i, _L)]
        idx = ((ts / max_time) * scale).astype(jnp.int32) & (_T - 1)
        out_v[pl.ds(i, _L)] = plsc.load_gather(enc_v, [idx])

    cp_b.wait()

    @plsc.parallel_loop(_HALF, _CHUNK, _L, unroll=14)
    def body_b(i):
        ts = ts_v[pl.ds(i, _L)]
        idx = ((ts / max_time) * scale).astype(jnp.int32) & (_T - 1)
        out_v[pl.ds(i, _L)] = plsc.load_gather(enc_v, [idx])

    pltpu.sync_copy(out_v, out_hbm.at[pl.ds(base, _CHUNK)])


def kernel(timestamps, encoding):
    return _temporal_encode(timestamps, encoding)

# --- scband reference (transcript-rebuilt; emitter-appended) ---
"""Pipeline reference for scband-temporal-encoding-19267223290271 (READ-ONLY COPY).

The authoritative reference and input builder live on the scoring server;
editing this copy changes nothing except your own understanding.
"""

import jax, jax.numpy as jnp
import numpy as np
import math

TEMPORAL_DIM = 128
MAX_TIME = 1000.0
N_NODES = 100000


def _make_encoding():
    T = TEMPORAL_DIM
    half = T // 2
    div_term = jnp.exp(jnp.arange(0, T, 2).astype(jnp.float32) * (-math.log(10000.0) / T))
    pos = jnp.arange(half).astype(jnp.float32)
    enc = jnp.zeros((T,), dtype=jnp.float32)
    enc = enc.at[0::2].set(jnp.sin(pos / div_term))
    enc = enc.at[1::2].set(jnp.cos(pos / div_term))
    return enc


def setup_inputs(seed: int = 0) -> dict:
    key = jax.random.key(seed)
    k1, _ = jax.random.split(key)
    # timestamps uniform in [0, MAX_TIME) so lookup indices cover the full table
    timestamps = jax.random.uniform(k1, (N_NODES,), dtype=jnp.float32) * MAX_TIME
    encoding = _make_encoding()
    return {"timestamps": timestamps, "encoding": encoding}


def reference(timestamps, encoding):
    normalized_time = timestamps / MAX_TIME
    scaled_time = normalized_time * TEMPORAL_DIM
    indices = scaled_time.astype(jnp.int32) % TEMPORAL_DIM
    return jnp.take(encoding, indices, axis=0)

if __name__ == "__main__":
    import jax
    _d = setup_inputs()
    print(jax.jit(kernel)(*tuple(_d.values())))

</pallas_src>

<mosaic_0001>
#map = affine_map<(d0, d1) -> (0)>
module attributes {stable_mosaic.version = 14 : i64} {
  func.func @_temporal_encode(%arg0: i32, %arg1: i32, %arg2: memref<100000xf32, #tpu.memory_space<hbm>>, %arg3: memref<128xf32, #tpu.memory_space<hbm>>, %arg4: memref<100000xf32, #tpu.memory_space<hbm>>, %arg5: memref<3136xf32, #tpu.memory_space<vmem>>, %arg6: memref<128xf32, #tpu.memory_space<vmem>>, %arg7: memref<3136xf32, #tpu.memory_space<vmem>>, %arg8: memref<!tpu.dma_semaphore, #tpu.memory_space<semaphore_mem>>, %arg9: memref<!tpu.dma_semaphore, #tpu.memory_space<semaphore_mem>>, %arg10: memref<!tpu.dma_semaphore, #tpu.memory_space<semaphore_mem>>) attributes {dimension_semantics = [#tpu.dimension_semantics<core_parallel>, #tpu.dimension_semantics<subcore_parallel>], iteration_bounds = array<i64: 2, 16>, scalar_prefetch = 0 : i64, scratch_operands = 6 : i64, tpu.core_type = #tpu.core_type<sc_vector_subcore>, window_params = [{transform_indices = #map}, {transform_indices = #map}, {transform_indices = #map}]} {
    %mul3A = arith.constant 2 : i32
    %mul3A_0 = arith.muli %arg1, %mul3A : i32
    %add3A = arith.addi %mul3A_0, %arg0 : i32
    %mul3A_1 = arith.constant 3136 : i32
    %mul3A_2 = arith.muli %add3A, %mul3A_1 : i32
    %min3A = arith.constant 96864 : i32
    %min3A_3 = arith.minsi %mul3A_2, %min3A : i32
    %multiple_of3A = tpu.assume_multiple %min3A_3, 8 : i32
    tpu.enqueue_dma source(%arg3 : memref<128xf32, #tpu.memory_space<hbm>>) target(%arg6 : memref<128xf32, #tpu.memory_space<vmem>>) target_semaphore(%arg8 : memref<!tpu.dma_semaphore, #tpu.memory_space<semaphore_mem>>)
    %dma_start3A = arith.constant 0 : i32
    %dma_start3A_4 = tpu.memref_slice %arg5[%dma_start3A] : memref<3136xf32, #tpu.memory_space<vmem>> -> memref<1568xf32, #tpu.memory_space<vmem>>
    %dma_start3A_5 = tpu.memref_slice %arg2[%multiple_of3A] : memref<100000xf32, #tpu.memory_space<hbm>> -> memref<1568xf32, #tpu.memory_space<hbm>>
    %dma_start3A_6 = arith.constant 0 : i32
    %dma_start3A_7 = tpu.memref_slice %arg5[%dma_start3A_6] : memref<3136xf32, #tpu.memory_space<vmem>> -> memref<1568xf32, #tpu.memory_space<vmem>>
    %dma_start3A_8 = tpu.memref_slice %arg2[%multiple_of3A] : memref<100000xf32, #tpu.memory_space<hbm>> -> memref<1568xf32, #tpu.memory_space<hbm>>
    tpu.enqueue_dma source(%dma_start3A_8 : memref<1568xf32, #tpu.memory_space<hbm>>) target(%dma_start3A_7 : memref<1568xf32, #tpu.memory_space<vmem>>) target_semaphore(%arg9 : memref<!tpu.dma_semaphore, #tpu.memory_space<semaphore_mem>>)
    %add3A_9 = arith.constant 1568 : i32
    %add3A_10 = arith.addi %multiple_of3A, %add3A_9 : i32
    %dma_start3A_11 = arith.constant 1568 : i32
    %dma_start3A_12 = tpu.memref_slice %arg5[%dma_start3A_11] : memref<3136xf32, #tpu.memory_space<vmem>> -> memref<1568xf32, #tpu.memory_space<vmem>>
    %dma_start3A_13 = tpu.memref_slice %arg2[%add3A_10] : memref<100000xf32, #tpu.memory_space<hbm>> -> memref<1568xf32, #tpu.memory_space<hbm>>
    %dma_start3A_14 = arith.constant 1568 : i32
    %dma_start3A_15 = tpu.memref_slice %arg5[%dma_start3A_14] : memref<3136xf32, #tpu.memory_space<vmem>> -> memref<1568xf32, #tpu.memory_space<vmem>>
    %dma_start3A_16 = tpu.memref_slice %arg2[%add3A_10] : memref<100000xf32, #tpu.memory_space<hbm>> -> memref<1568xf32, #tpu.memory_space<hbm>>
    tpu.enqueue_dma source(%dma_start3A_16 : memref<1568xf32, #tpu.memory_space<hbm>>) target(%dma_start3A_15 : memref<1568xf32, #tpu.memory_space<vmem>>) target_semaphore(%arg10 : memref<!tpu.dma_semaphore, #tpu.memory_space<semaphore_mem>>)
    tpu.wait_dma2 semaphore(%arg8 : memref<!tpu.dma_semaphore, #tpu.memory_space<semaphore_mem>>) src(%arg3 : memref<128xf32, #tpu.memory_space<hbm>>) dst(%arg6 : memref<128xf32, #tpu.memory_space<vmem>>)
    %dma_wait3A = arith.constant 0 : i32
    %dma_wait3A_17 = tpu.memref_slice %arg5[%dma_wait3A] : memref<3136xf32, #tpu.memory_space<vmem>> -> memref<1568xf32, #tpu.memory_space<vmem>>
    %dma_wait3A_18 = tpu.memref_slice %arg2[%multiple_of3A] : memref<100000xf32, #tpu.memory_space<hbm>> -> memref<1568xf32, #tpu.memory_space<hbm>>
    %dma_wait3A_19 = arith.constant 0 : i32
    %dma_wait3A_20 = tpu.memref_slice %arg5[%dma_wait3A_19] : memref<3136xf32, #tpu.memory_space<vmem>> -> memref<1568xf32, #tpu.memory_space<vmem>>
    %dma_wait3A_21 = tpu.memref_slice %arg2[%multiple_of3A] : memref<100000xf32, #tpu.memory_space<hbm>> -> memref<1568xf32, #tpu.memory_space<hbm>>
    tpu.wait_dma2 semaphore(%arg9 : memref<!tpu.dma_semaphore, #tpu.memory_space<semaphore_mem>>) src(%dma_wait3A_21 : memref<1568xf32, #tpu.memory_space<hbm>>) dst(%dma_wait3A_20 : memref<1568xf32, #tpu.memory_space<vmem>>)
    %parallel_loop3A = arith.constant 0 : i32
    %parallel_loop3A_22 = arith.constant 1568 : i32
    %parallel_loop3A_23 = arith.constant 16 : i32
    %parallel_loop3A_24 = arith.constant 1.000000e+03 : f32
    %parallel_loop3A_25 = arith.constant 1.280000e+02 : f32
    scf.for %parallel_loop3A_37 = %parallel_loop3A to %parallel_loop3A_22 step %parallel_loop3A_23  : i32 {
      %parallel_loop3A_38 = arith.index_cast %parallel_loop3A_37 : i32 to index
      %parallel_loop3A_39 = tpu.vector_load %arg5[%parallel_loop3A_38] {strides = array<i32>} : memref<3136xf32, #tpu.memory_space<vmem>>, vector<16xf32>,
      %parallel_loop3A_40 = vector.broadcast %parallel_loop3A_24 : f32 to vector<16xf32>
      %parallel_loop3A_41 = arith.divf %parallel_loop3A_39, %parallel_loop3A_40 : vector<16xf32>
      %parallel_loop3A_42 = vector.broadcast %parallel_loop3A_25 : f32 to vector<16xf32>
      %parallel_loop3A_43 = arith.mulf %parallel_loop3A_41, %parallel_loop3A_42 : vector<16xf32>
      %parallel_loop3A_44 = arith.fptosi %parallel_loop3A_43 : vector<16xf32> to vector<16xi32>
      %parallel_loop3A_45 = arith.constant 127 : i32
      %parallel_loop3A_46 = vector.broadcast %parallel_loop3A_45 : i32 to vector<16xi32>
      %parallel_loop3A_47 = arith.andi %parallel_loop3A_44, %parallel_loop3A_46 : vector<16xi32>
      %parallel_loop3A_48 = tpu.vector_load_idx %arg6[%parallel_loop3A_47] : memref<128xf32, #tpu.memory_space<vmem>>[vector<16xi32>], vector<16xf32>,
      %parallel_loop3A_49 = arith.index_cast %parallel_loop3A_37 : i32 to index
      %parallel_loop3A_50 = tpu.vector_load %arg7[%parallel_loop3A_49] {strides = array<i32>} : memref<3136xf32, #tpu.memory_space<vmem>>, vector<16xf32>,
      tpu.vector_store %arg7[%parallel_loop3A_49], %parallel_loop3A_48 {strides = array<i32>} : memref<3136xf32, #tpu.memory_space<vmem>>, vector<16xf32>,
    } {sc.loop_unroll_factor = 14 : i64, sc.parallel_access}
    %dma_wait3A_26 = arith.constant 1568 : i32
    %dma_wait3A_27 = tpu.memref_slice %arg5[%dma_wait3A_26] : memref<3136xf32, #tpu.memory_space<vmem>> -> memref<1568xf32, #tpu.memory_space<vmem>>
    %dma_wait3A_28 = tpu.memref_slice %arg2[%add3A_10] : memref<100000xf32, #tpu.memory_space<hbm>> -> memref<1568xf32, #tpu.memory_space<hbm>>
    %dma_wait3A_29 = arith.constant 1568 : i32
    %dma_wait3A_30 = tpu.memref_slice %arg5[%dma_wait3A_29] : memref<3136xf32, #tpu.memory_space<vmem>> -> memref<1568xf32, #tpu.memory_space<vmem>>
    %dma_wait3A_31 = tpu.memref_slice %arg2[%add3A_10] : memref<100000xf32, #tpu.memory_space<hbm>> -> memref<1568xf32, #tpu.memory_space<hbm>>
    tpu.wait_dma2 semaphore(%arg10 : memref<!tpu.dma_semaphore, #tpu.memory_space<semaphore_mem>>) src(%dma_wait3A_31 : memref<1568xf32, #tpu.memory_space<hbm>>) dst(%dma_wait3A_30 : memref<1568xf32, #tpu.memory_space<vmem>>)
    %parallel_loop3A_32 = arith.constant 1568 : i32
    %parallel_loop3A_33 = arith.constant 3136 : i32
    %parallel_loop3A_34 = arith.constant 16 : i32
    %parallel_loop3A_35 = arith.constant 1.000000e+03 : f32
    %parallel_loop3A_36 = arith.constant 1.280000e+02 : f32
    scf.for %parallel_loop3A_37 = %parallel_loop3A_32 to %parallel_loop3A_33 step %parallel_loop3A_34  : i32 {
      %parallel_loop3A_38 = arith.index_cast %parallel_loop3A_37 : i32 to index
      %parallel_loop3A_39 = tpu.vector_load %arg5[%parallel_loop3A_38] {strides = array<i32>} : memref<3136xf32, #tpu.memory_space<vmem>>, vector<16xf32>,
      %parallel_loop3A_40 = vector.broadcast %parallel_loop3A_35 : f32 to vector<16xf32>
      %parallel_loop3A_41 = arith.divf %parallel_loop3A_39, %parallel_loop3A_40 : vector<16xf32>
      %parallel_loop3A_42 = vector.broadcast %parallel_loop3A_36 : f32 to vector<16xf32>
      %parallel_loop3A_43 = arith.mulf %parallel_loop3A_41, %parallel_loop3A_42 : vector<16xf32>
      %parallel_loop3A_44 = arith.fptosi %parallel_loop3A_43 : vector<16xf32> to vector<16xi32>
      %parallel_loop3A_45 = arith.constant 127 : i32
      %parallel_loop3A_46 = vector.broadcast %parallel_loop3A_45 : i32 to vector<16xi32>
      %parallel_loop3A_47 = arith.andi %parallel_loop3A_44, %parallel_loop3A_46 : vector<16xi32>
      %parallel_loop3A_48 = tpu.vector_load_idx %arg6[%parallel_loop3A_47] : memref<128xf32, #tpu.memory_space<vmem>>[vector<16xi32>], vector<16xf32>,
      %parallel_loop3A_49 = arith.index_cast %parallel_loop3A_37 : i32 to index
      %parallel_loop3A_50 = tpu.vector_load %arg7[%parallel_loop3A_49] {strides = array<i32>} : memref<3136xf32, #tpu.memory_space<vmem>>, vector<16xf32>,
      tpu.vector_store %arg7[%parallel_loop3A_49], %parallel_loop3A_48 {strides = array<i32>} : memref<3136xf32, #tpu.memory_space<vmem>>, vector<16xf32>,
    } {sc.loop_unroll_factor = 14 : i64, sc.parallel_access}
    "tpu.region"() ({
      %run_scoped3A = tpu.sem_alloc : memref<!tpu.dma_semaphore, #tpu.memory_space<semaphore_mem>>
      %dma_start3A_37 = tpu.memref_slice %arg4[%multiple_of3A] : memref<100000xf32, #tpu.memory_space<hbm>> -> memref<3136xf32, #tpu.memory_space<hbm>>
      %dma_start3A_38 = tpu.memref_slice %arg4[%multiple_of3A] : memref<100000xf32, #tpu.memory_space<hbm>> -> memref<3136xf32, #tpu.memory_space<hbm>>
      tpu.enqueue_dma source(%arg7 : memref<3136xf32, #tpu.memory_space<vmem>>) target(%dma_start3A_38 : memref<3136xf32, #tpu.memory_space<hbm>>) target_semaphore(%run_scoped3A : memref<!tpu.dma_semaphore, #tpu.memory_space<semaphore_mem>>)
      %dma_wait3A_39 = tpu.memref_slice %arg4[%multiple_of3A] : memref<100000xf32, #tpu.memory_space<hbm>> -> memref<3136xf32, #tpu.memory_space<hbm>>
      %dma_wait3A_40 = tpu.memref_slice %arg4[%multiple_of3A] : memref<100000xf32, #tpu.memory_space<hbm>> -> memref<3136xf32, #tpu.memory_space<hbm>>
      tpu.wait_dma2 semaphore(%run_scoped3A : memref<!tpu.dma_semaphore, #tpu.memory_space<semaphore_mem>>) src(%arg7 : memref<3136xf32, #tpu.memory_space<vmem>>) dst(%dma_wait3A_40 : memref<3136xf32, #tpu.memory_space<hbm>>)
      tpu.yield
    }) : () -> ()
    return
  }
}

</mosaic_0001>

<sc_bundles>
// kernel: kernel.3.cloned.1.call-start
scs
__scs_entry_jumppad:
0x0: {  	(pc) =	sbr.rel $0x88, $3  }
0x1: {  	(tag) =	ssettag $0x0;
	lr =	simm.s32 $0x1  }
0x2: {  	[smem:$0x3F9F] =	sst lr;
	_ =	strace $0xD0000000  }
0x3: {  	_ = 	snop  }
0x4: {  	_ = 	snop  }
0x5: {  	_ = 	snop  }
0x6: {  	_ = 	snop  }
0x7: {  	_ = 	snop  }
__scs_overlays_trampoline_lowered:
0x8: {  	[smem:$0x3FAE] =	sst s0  }
0x9: {  	[smem:$0x3FAF] =	sst s1  }
0xa: {  	[smem:$0x3FB0] =	sst s2  }
0xb: {  	[smem:$0x3FB1] =	sst s3  }
0xc: {  	[smem:$0x3FB2] =	sst s4  }
0xd: {  	[smem:$0x3FB3] =	sst s5  }
0xe: {  	[smem:$0x3FB4] =	sst s6  }
0xf: {  	[smem:$0x3FB5] =	sst s7  }
0x10: {  	[smem:$0x3FB6] =	sst s8  }
0x11: {  	[smem:$0x3FB7] =	sst s9;
	s0 =	simm.s32 @!p0 $0x0  }
0x12: {  	s1 =	sld [smem:$0x3F9D];
	s0 =	simm.s32 @p0 $0x1  }
0x13: {  	[smem:$0x3FB8] =	sst s0;
	s0 =	simm.s32 @!p1 $0x0  }
0x14: {  	s2 =	sld [smem:$0x3F9C];
	s0 =	simm.s32 @p1 $0x1  }
0x15: {  	[smem:$0x3FB9] =	sst s0;
	s0 =	simm.s32 @!p2 $0x0  }
0x16: {  	s3 =	sld [smem:$0x3FDB];
	s0 =	simm.s32 @p2 $0x1  }
0x17: {  	s4 =	simm.s32 $0x1BF5;
	[smem:$0x3FBB] =	sst s0  }
0x18: {  	s0 =	sld [smem:$0x3F9E];
	_ =	swait.ge [sflag:s4], $0x0  }
0x19: {  	s7 =	sld [smem:$0x3F9F]  }
0x1a: {  	s8 =	sadd.s32 $0xFFFFE003, lr  }
0x1b: {  	s9 =	sadd.s32 $0xFFFFFEF7, lr;
	s5 =	simm.s32 $0xFFFFFFFF;
	p2 =	slt.u32 s8, $0xFFFFF086  }
0x1c: {  	p1 =	slt.u32 s9, $0xF7A;
	s5 =	simm.s32 @!p2 $0x0  }
0x1d: {  	s5 =	simm.s32 @p1 $0x1;
	p0 =	seq.s32 s7, s2  }
0x1e: {  	s7 =	smul.u32 @!p0 $0xF7A, s2;
	p2 =	seq.s32 @!p0 s5, $0x0  }
0x1f: {  	s9 =	smul.u32 $0xF7A, s1;
	s8 =	simm.s32 @!p0 $0x1BF5;
	p2 =	por !p2, p0  }
0x20: {  	[sflag:s8] =	ssyncset.s32 @!p0 $0xFFFFF086;
	s6 =	sadd.s32 @!p0 s3, s7;
	s7 =	simm.s32 @!p0 $0x108  }
0x21: {  	s3 =	sadd.s32 s3, s9;
	s6 =	sadd.s32 @!p0 $0x88, s6;
	s7 =	simm.s32 @p2 $0x1082  }
0x22: {  	[simem:s7], [sflag:s8] =	dma.local @!p0 [hbm:s6], $0xF7A  }
0x23: {  	s9 =	sor.u32 $0xD0000000, s2;
	s6 =	simm.s32 $0x108;
	_ =	swait.ge @!p0 [sflag:s8], $0x0  }
0x24: {  	s3 =	sadd.s32 $0x88, s3;
	s6 =	simm.s32 @!p1 $0x1082;
	[sflag:s4] =	ssyncset.s32 $0xFFFFF086  }
0x25: {  	[simem:s6], [sflag:s4] =	dma.local [hbm:s3], $0xF7A  }
0x26: {  	[smem:$0x3F9F] =	sst s1;
	(tag) =	ssettag s2;
	_ =	strace s9  }
0x27: {  	s1 =	sld [smem:$0x3FAF]  }
0x28: {  	s2 =	sld [smem:$0x3FB0]  }
0x29: {  	s4 =	sld [smem:$0x3FB2]  }
0x2a: {  	p0 =	seq.s32 s5, $0x0;
	s5 =	sld [smem:$0x3FB3]  }
0x2b: {  	s6 =	sld [smem:$0x3FB4]  }
0x2c: {  	s7 =	sld [smem:$0x3FB5]  }
0x2d: {  	s3 =	simm.s32 $0x108;
	s8 =	sld [smem:$0x3FB6]  }
0x2e: {  	s3 =	simm.s32 @!p0 $0x1082;
	s9 =	sld [smem:$0x3FB7]  }
0x2f: {  	lr =	sadd.s32 s0, s3;
	s0 =	sld [smem:$0x3FAE]  }
0x30: {  	s3 =	sld [smem:$0x3FB1]  }
0x31: {  	[smem:$0x3FBA] =	sst s10  }
0x32: {  	s10 =	sld [smem:$0x3FB8];
	_ =	sdelay $0x3  }
0x33: {  	p0 =	seq.s32 s10, $0x1;
	s10 =	sld [smem:$0x3FBA];
	_ =	sdelay $0x3  }
0x34: {  	[smem:$0x3FBA] =	sst s10  }
0x35: {  	s10 =	sld [smem:$0x3FB9];
	_ =	sdelay $0x3  }
0x36: {  	p1 =	seq.s32 s10, $0x1;
	s10 =	sld [smem:$0x3FBA];
	_ =	sdelay $0x3  }
0x37: {  	[smem:$0x3FBA] =	sst s10  }
0x38: {  	s10 =	sld [smem:$0x3FBB]  }
0x39: {  	_ = 	snop;
	(pc) =	sbr.ind lr, $3  }
0x3a: {  	_ = 	snop  }
0x3b: {  	_ = 	snop  }
0x3c: {  	p2 =	seq.s32 s10, $0x1;
	s10 =	sld [smem:$0x3FBA]  }
0x3d: {  	_ =	shalt  }
0x3e: {  	_ =	shalt  }
0x3f: {  	_ =	shalt  }
0x40: {  	_ =	shalt  }
0x41: {  	_ =	shalt  }
0x42: {  	_ =	shalt  }
0x43: {  	_ =	shalt  }
0x44: {  	_ =	shalt  }
0x45: {  	_ =	shalt  }
0x46: {  	_ =	shalt  }
0x47: {  	_ =	shalt  }
0x48: {  	_ =	shalt  }
0x49: {  	_ =	shalt  }
0x4a: {  	_ =	shalt  }
0x4b: {  	_ =	shalt  }
0x4c: {  	_ =	shalt  }
0x4d: {  	_ =	shalt  }
0x4e: {  	_ =	shalt  }
0x4f: {  	_ =	shalt  }
0x50: {  	_ =	shalt  }
0x51: {  	_ =	shalt  }
0x52: {  	_ =	shalt  }
0x53: {  	_ =	shalt  }
0x54: {  	_ =	shalt  }
0x55: {  	_ =	shalt  }
0x56: {  	_ =	shalt  }
0x57: {  	_ =	shalt  }
0x58: {  	_ =	shalt  }
0x59: {  	_ =	shalt  }
0x5a: {  	_ =	shalt  }
0x5b: {  	_ =	shalt  }
0x5c: {  	_ =	shalt  }
0x5d: {  	_ =	shalt  }
0x5e: {  	_ =	shalt  }
0x5f: {  	_ =	shalt  }
0x60: {  	_ =	shalt  }
0x61: {  	_ =	shalt  }
0x62: {  	_ =	shalt  }
0x63: {  	_ =	shalt  }
0x64: {  	_ =	shalt  }
0x65: {  	_ =	shalt  }
0x66: {  	_ =	shalt  }
0x67: {  	_ =	shalt  }
0x68: {  	_ =	shalt  }
0x69: {  	_ =	shalt  }
0x6a: {  	_ =	shalt  }
0x6b: {  	_ =	shalt  }
0x6c: {  	_ =	shalt  }
0x6d: {  	_ =	shalt  }
0x6e: {  	_ =	shalt  }
0x6f: {  	_ =	shalt  }
0x70: {  	_ =	shalt  }
0x71: {  	_ =	shalt  }
0x72: {  	_ =	shalt  }
0x73: {  	_ =	shalt  }
0x74: {  	_ =	shalt  }
0x75: {  	_ =	shalt  }
0x76: {  	_ =	shalt  }
0x77: {  	_ =	shalt  }
0x78: {  	_ =	shalt  }
0x79: {  	_ =	shalt  }
0x7a: {  	_ =	shalt  }
0x7b: {  	_ =	shalt  }
0x7c: {  	_ =	shalt  }
0x7d: {  	_ =	shalt  }
0x7e: {  	_ =	shalt  }
0x7f: {  	_ =	shalt  }
0x80: {  	_ =	shalt  }
0x81: {  	_ =	shalt  }
0x82: {  	_ =	shalt  }
0x83: {  	_ =	shalt  }
0x84: {  	_ =	shalt  }
0x85: {  	_ =	shalt  }
0x86: {  	_ =	shalt  }
0x87: {  	_ =	shalt  }
.Lfunc_end0:
.L_simem_size_0:
called_computation_lowered:
.L_overlay_start_0:
0x88: {  	s2 =	sld [smem:$0x3FD9]  }
0x89: {  	s3 =	sld [smem:$0x3FFE];
	_ =	sdelay $0x1  }
0x8a: {  	s1 =	srdreg.scid  }
0x8b: {  	s0 =	sand.u32 $0x1, s1  }
0x8c: {  	s18 =	sshll.u32 s0, $0xA;
	s2 =	sadd.s32 s3, s2  }
0x8d: {  	s2 =	sadd.s32 s2, s18  }
0x8e: {  	[smem:$0x3FC6] =	sst s2  }
0x8f: {  	_ = 	snop  }
0x90: {  	s2 =	sld [smem:$0x3FC9]  }
0x91: {  	s19 =	sld [smem:$0x3FC8]  }
0x92: {  	s4 =	sld [smem:$0x3FD0];
	(tm) =	ssettm $0x1  }
0x93: {  	s5 =	sld [smem:$0x3FFB];
	_ =	sdelay $0x3  }
0x94: {  	_ =	strace s5  }
0x95: {  	s5 =	sld [smem:$0x3FFC];
	_ =	sdelay $0x3  }
0x96: {  	_ =	strace s5  }
0x97: {  	s5 =	sld [smem:$0x3FFD];
	_ =	sdelay $0x3  }
0x98: {  	_ =	strace s5  }
0x99: {  	_ =	strace $0x8FFFFFFF  }
0x9a: {  	s20 =	sld [smem:$0x3FDB];
	_ =	sdelay $0x1  }
0x9b: {  	s6 =	simm.s32 $_scs_section_size  }
0x9c: {  	s7 =	simm.s32 $_size__tile_overlayer_lowered;
	s8 =	simm.s32 $_tile_overlayer_lowered  }
0x9d: {  	s23 =	simm.s32 $0x1BFF;
	s22 =	sshll.u32 s8, $0x1;
	s5 =	sadd.s32 s6, s20  }
0x9e: {  	s9 =	simm.s32 $0x0;
	s21 =	sshll.u32 s7, $0x1;
	s7 =	sadd.s32 s22, s5  }
0x9f: {  	[timem:s9], [sflag:s23] =	dma.local [hbm:s7], s21  }
0xa0: {  	_ =	swait.ge [sflag:s23], s21  }
0xa1: {  	s6 =	ssub.s32 $0x0, s21;
	[sflag:s23] =	ssyncset.done $0x0  }
0xa2: {  	[sflag:s23] =	ssyncadd.s32 s6;
	_ =	sdelay $0x1  }
0xa3: {  	s24 =	simm.s32 $0x1B8B  }
0xa4: {  	_ =	swait.ge [sflag:s24], $0x1  }
0xa5: {  	[sflag:s24] =	ssyncset.done $0x0  }
0xa6: {  	s25 =	simm.s32 $0x1B8E;
	[sflag:s24] =	ssyncadd.s32 $0xFFFFFFFF  }
0xa7: {  	s26 =	simm.s32 $execute0_lowered;
	[smem:$0x3FD2] =	sst s25  }
0xa8: {  	s6 =	sshll.u32 s26, $0x1;
	_ =	strace $0x80000046;
	[dreg:$0x1] =	wrdreg $0xFFFFFFFF  }
0xa9: {  	s28 =	simm.s32 $_size_execute0_lowered;
	s5 =	sadd.s32 s5, s6;
	[dreg:$0x0] =	wrdreg $0x0  }
0xaa: {  	s6 =	sshll.u32 s28, $0x1;
	[dreg:$0x2] =	wrdreg s5  }
0xab: {  	[dreg:$0x3] =	wrdreg s6  }
0xac: {  	[dreg:$0x4] =	wrdreg $0xC0  }
0xad: {  	_ =	task [dreg:s9], $0x5FFFF  }
0xae: {  	[dreg:$0x1] =	wrdreg $0xFFFFFFFF  }
0xaf: {  	[dreg:$0x0] =	wrdreg $0x60  }
0xb0: {  	[dreg:$0x2] =	wrdreg s2  }
0xb1: {  	[dreg:$0x3] =	wrdreg s19  }
0xb2: {  	[dreg:$0x4] =	wrdreg s4  }
0xb3: {  	[dreg:$0x5] =	wrdreg $0x9  }
0xb4: {  	_ =	task.clear_ibuf [dreg:s9], $0x6FFFF;
	_ =	strace $0x90000046  }
0xb5: {  	s29 =	simm.s32 $0x9;
	_ =	strace $0x80000048  }
0xb6: {  	_ =	swait.ge [sflag:s29], $0x1  }
0xb7: {  	[sflag:s29] =	ssyncadd.s32 $0xFFFFFFFF  }
0xb8: {  	_ =	strace $0x90000048  }
0xb9: {  	_ =	sfence  }
0xba: {  	s30 =	sld [smem:$0x0];
	_ =	sdelay $0x2  }
0xbb: {  	s31 =	sshll.u32 s1, $0xD;
	s1 =	sshrl.u32 s1, $0x2  }
0xbc: {  	s3 =	sand.u32 $0x4000, s31;
	s1 =	sadd.s32 s1, s30  }
0xbd: {  	s0 =	sor.u32 s3, s0;
	s1 =	sshll.u32 s1, $0x11  }
0xbe: {  	s0 =	sor.u32 s1, s0  }
0xbf: {  	s0 =	sadd.s32 $0x8F2B, s0  }
0xc0: {  	[sflag:s0] =	ssyncadd.remote.s32 $0x1  }
0xc1: {  	_ =	sfence.sel $0xFFFF  }
0xc2: {  	[dreg:$0x0] =	wrdreg $0xFFFFFFFF;
	(pc) =	sbr.abs _section_cstart, $3  }
0xc3: {  	[dreg:$0x1] =	wrdreg $0xFFFFFFFF  }
0xc4: {  	_ =	task.clear_ibuf [dreg:s9], $0x2FFFF;
	_ =	strace $0x9FFFFFFF  }
0xc5: {  	(tm) =	ssettm $0x7FFFFFFF  }
tec
execute0_lowered:
.L_overlay_start_1:
0x0: {  	(tag) =	ssettag $0x1  }
0x1: {  	s4 =	rddreg [dreg:$0x0]  }
0x2: {  	s1 =	rddreg [dreg:$0x1]  }
0x3: {  	s6 =	rddreg [dreg:$0x2];
	s3 =	simm.s32 $0x0  }
0x4: {  	[smem:$0x7FF] =	sst s3  }
0x5: {  	s0 =	rddreg [dreg:$0x3];
	v0 =	vimm.f32 $1.000000000e+03;
	_ =	strace $0x80000047  }
0x6: {  	(erf) = vrcp.f32 v0  }
0x7: {  	s5 =	srdreg.scid;
	s2 =	stileid.u32  }
0x8: {  	s5 =	sand.u32 $0x1, s5;
	s7 =	sshll.u32 s2, $0x1  }
0x9: {  	s7 =	sor.u32 s5, s7  }
0xa: {  	s9 =	simm.s32 $0x620;
	s10 =	simm.s32 $0x1;
	s7 =	smul.u32 $0xC40, s7  }
0xb: {  	s11 =	simm.s32 $0x2;
	s12 =	simm.s32 $0x3;
	s13 =	simm.s32 $0xD00  }
0xc: {  	s14 =	simm.s32 $0x4;
	s5 =	ssub.s32 $0x2, s5;
	s7 =	smin.u32 s7, $0x17A60  }
0xd: {  	s15 =	simm.s32 $0x0;
	s8 =	sshrl.u32 s5, $0x1;
	s7 =	sshrl.u32 s7, $0x3  }
0xe: {  	s8 =	ssub.s32 s5, s8;
	s4 =	sadd.s32 s4, s7;
	s6 =	sadd.s32 s6, s7  }
0xf: {  	s7 =	smax.u32 s8, $0x1;
	s8 =	simm.s32 $0xC80;
	s5 =	sadd.s32 $0xC4, s4;
	v0 =	vpop (erf)  }
.LBB2_1:
0x10: {  	[tilespmem:s8], [sflag:$0x1] =	stream.linear.gather [hbm4b:s1+s3], $0x80, $0x38;
	[tilespmem:$0x1980] =	vst v63  }
0x11: {  	_ = 	snop  }
0x12: {  	[tilespmem:s3], [sflag:$0x2] =	stream.linear.gather [hbm4b:s4+s3], $0x620, $0x38;
	[tilespmem:$0x1980] =	vst v63  }
0x13: {  	_ = 	snop  }
0x14: {  	[tilespmem:s9], [sflag:$0x3] =	stream.linear.gather [hbm4b:s5+s3], $0x620, $0x38;
	[tilespmem:$0x1980] =	vst v63  }
0x15: {  	_ =	swait.ge [sflag:s10], $0x80  }
0x16: {  	[sflag:s10] =	ssyncset.done $0x0  }
0x17: {  	[sflag:s10] =	ssyncadd.s32 $0xFFFFFF80  }
0x18: {  	_ =	swait.ge [sflag:s11], $0x620  }
0x19: {  	[sflag:s11] =	ssyncset.done $0x0  }
0x1a: {  	s16 =	simm.s32 $0x70;
	[sflag:s11] =	ssyncadd.s32 $0xFFFFF9E0  }
0x1b: {  	v1 =	vld [tilespmem:s16+$0xFFFFFFD0]  }
0x1c: {  	v2 =	vld [tilespmem:s16+$0xFFFFFF90]  }
0x1d: {  	s17 =	simm.s32 $0x0;
	v3 =	vld [tilespmem:s16+$0xFFFFFFF0]  }
0x1e: {  	s19 =	sand.u32 $0x7E0, s17;
	v4 =	vld [tilespmem:s16+$0xFFFFFFB0]  }
0x1f: {  	v5 =	vld [tilespmem:s19+$0x80]  }
0x20: {  	v6 =	vld [tilespmem:s16+$0x50]  }
0x21: {  	v7 =	vld [tilespmem:s16+$0x60]  }
0x22: {  	v8 =	vld [tilespmem:s16+$0xFFFFFFA0]  }
0x23: {  	v9 =	vld [tilespmem:s16+$0xFFFFFFC0]  }
0x24: {  	v10 =	vld [tilespmem:s16+$0x0]  }
0x25: {  	v11 =	vld [tilespmem:s16+$0x20]  }
0x26: {  	v12 =	vld [tilespmem:s16+$0x40]  }
0x27: {  	v13 =	vld [tilespmem:s16+$0x30]  }
0x28: {  	s20 =	simm.s32 $0x150;
	v14 =	vld [tilespmem:s16+$0xFFFFFFE0];
	v1 =	vmul.f32 v1, v0  }
0x29: {  	v17 =	vld [tilespmem:s20+$0xFFFFFFD0];
	v2 =	vmul.f32 v2, v0;
	v7 =	vmul.f32 v7, v0  }
0x2a: {  	v18 =	vld [tilespmem:s20+$0xFFFFFF90];
	v4 =	vmul.f32 v4, v0;
	v8 =	vmul.f32 v8, v0  }
0x2b: {  	v24 =	vld [tilespmem:s20+$0x0];
	v5 =	vmul.f32 v5, v0;
	v6 =	vmul.f32 v6, v0  }
0x2c: {  	v9 =	vmul.f32 v9, v0;
	v10 =	vmul.f32 v10, v0  }
0x2d: {  	v3 =	vmul.f32 v3, v0;
	v11 =	vmul.f32 v11, v0  }
0x2e: {  	v12 =	vmul.f32 v12, v0;
	v13 =	vmul.f32 v13, v0  }
0x2f: {  	v14 =	vmul.f32 v14, v0;
	v17 =	vmul.f32 v17, v0  }
0x30: {  	v18 =	vmul.f32 v18, v0;
	v60 =	vmul.f32 v24, v0  }
0x31: {  	v1 =	vmul.f32 $1.280000000e+02, v1;
	v2 =	vmul.f32 $1.280000000e+02, v2  }
0x32: {  	v5 =	vmul.f32 $1.280000000e+02, v5;
	v7 =	vmul.f32 $1.280000000e+02, v7  }
0x33: {  	v9 =	vmul.f32 $1.280000000e+02, v9;
	v6 =	vmul.f32 $1.280000000e+02, v6  }
0x34: {  	v10 =	vmul.f32 $1.280000000e+02, v10;
	v3 =	vmul.f32 $1.280000000e+02, v3  }
0x35: {  	v8 =	vmul.f32 $1.280000000e+02, v8;
	v4 =	vmul.f32 $1.280000000e+02, v4  }
0x36: {  	v14 =	vmul.f32 $1.280000000e+02, v14;
	v13 =	vmul.f32 $1.280000000e+02, v13  }
0x37: {  	v17 =	vmul.f32 $1.280000000e+02, v17;
	v18 =	vmul.f32 $1.280000000e+02, v18  }
0x38: {  	v12 =	vmul.f32 $1.280000000e+02, v12;
	v1 =	vtrunc.f32 v1  }
0x39: {  	v2 =	vtrunc.f32 v2;
	v5 =	vtrunc.f32 v5  }
0x3a: {  	v16 =	vld [tilespmem:s20+$0xFFFFFFB0];
	v7 =	vtrunc.f32 v7;
	v9 =	vtrunc.f32 v9  }
0x3b: {  	v20 =	vld [tilespmem:s20+$0x50];
	v3 =	vtrunc.f32 v3;
	v4 =	vtrunc.f32 v4  }
0x3c: {  	v21 =	vld [tilespmem:s20+$0x60];
	v6 =	vtrunc.f32 v6;
	v2 =	vcvt.f32.s32 v2  }
0x3d: {  	v22 =	vld [tilespmem:s20+$0x40];
	v1 =	vcvt.f32.s32 v1;
	v5 =	vcvt.f32.s32 v5  }
0x3e: {  	s17 =	simm.s32 $0xE0;
	v23 =	vld [tilespmem:s20+$0xFFFFFFA0];
	v15 =	vcvt.f32.s32 v7;
	v7 =	vtrunc.f32 v10;
	v2 =	vand.u32 $0x7F, v2  }
0x3f: {  	s16 =	sand.u32 $0x7E0, s17;
	v25 =	vld [tilespmem:s20+$0xFFFFFFC0];
	v10 =	vmul.f32 $1.280000000e+02, v11;
	v4 =	vcvt.f32.s32 v4;
	v5 =	vand.u32 $0x7F, v5  }
0x40: {  	v19 =	vld [tilespmem:s16+$0x80];
	v14 =	vtrunc.f32 v14;
	v3 =	vcvt.f32.s32 v3;
	v1 =	vand.u32 $0x7F, v1  }
0x41: {  	v13 =	vtrunc.f32 v13;
	v11 =	vld [tilespmem:s20+$0xFFFFFFF0];
	v10 =	vtrunc.f32 v10;
	v4 =	vand.u32 $0x7F, v4  }
0x42: {  	v3 =	vand.u32 $0x7F, v3;
	v63 =	vand.u32 $0x7F, v15;
	v15 =	vld [tilespmem:s20+$0xFFFFFFE0];
	v10 =	vcvt.f32.s32 v10  }
0x43: {  	v8 =	vtrunc.f32 v8;
	v6 =	vcvt.f32.s32 v6;
	v2 =	vld.idx.msk [tilespmem:v2+s8+$0x0], $0xffff  }
0x44: {  	v17 =	vtrunc.f32 v17;
	v8 =	vcvt.f32.s32 v8;
	v10 =	vand.u32 $0x7F, v10;
	v5 =	vld.idx.msk [tilespmem:v5+s8+$0x0], $0xffff  }
0x45: {  	v9 =	vcvt.f32.s32 v9;
	v7 =	vcvt.f32.s32 v7;
	v6 =	vand.u32 $0x7F, v6;
	v1 =	vld.idx.msk [tilespmem:v1+s8+$0x0], $0xffff  }
0x46: {  	v17 =	vcvt.f32.s32 v17;
	v8 =	vand.u32 $0x7F, v8;
	v26 =	vld.idx.msk [tilespmem:v4+s8+$0x0], $0xffff;
	v4 =	vcvt.f32.s32 v14  }
0x47: {  	v27 =	vand.u32 $0x7F, v7;
	v14 =	vtrunc.f32 v18;
	v59 =	vld.idx.msk [tilespmem:v3+s8+$0x0], $0xffff;
	v3 =	vmul.f32 v16, v0  }
0x48: {  	v9 =	vand.u32 $0x7F, v9;
	v18 =	vld [tilespmem:s20+$0x20];
	v7 =	vcvt.f32.s32 v14;
	v14 =	vmul.f32 v21, v0  }
0x49: {  	s18 =	simm.s32 $0xD70;
	v28 =	vand.u32 $0x7F, v4;
	v16 =	vld.idx.msk [tilespmem:v10+s8+$0x0], $0xffff;
	v10 =	vtrunc.f32 v12;
	v12 =	vmul.f32 v19, v0  }
0x4a: {  	v6 =	vld.idx.msk [tilespmem:v6+s8+$0x0], $0xffff;
	v19 =	vmul.f32 v20, v0;
	v20 =	vcvt.f32.s32 v10;
	[tilespmem:s18+$0xFFFFFF90] =	vst v2  }
0x4b: {  	v61 =	vld.idx.msk [tilespmem:v8+s8+$0x0], $0xffff;
	v4 =	vmul.f32 v23, v0;
	v14 =	vmul.f32 $1.280000000e+02, v14;
	v2 =	vand.u32 $0x7F, v7;
	[tilespmem:s19+$0xD80] =	vst v5  }
0x4c: {  	v62 =	vld.idx.msk [tilespmem:v27+s8+$0x0], $0xffff;
	v10 =	vmul.f32 v11, v0;
	[tilespmem:s18+$0xFFFFFFD0] =	vst v1;
	v1 =	vcvt.f32.s32 v13;
	v13 =	vand.u32 $0x7F, v20  }
0x4d: {  	v11 =	vld.idx.msk [tilespmem:v9+s8+$0x0], $0xffff;
	v5 =	vmul.f32 v25, v0;
	[tilespmem:s18+$0xFFFFFFB0] =	vst v26;
	v12 =	vmul.f32 $1.280000000e+02, v12  }
0x4e: {  	[tilespmem:s18+$0xFFFFFFF0] =	vst v59;
	v8 =	vmul.f32 $1.280000000e+02, v19;
	v18 =	vmul.f32 v18, v0;
	v20 =	vld.idx.msk [tilespmem:v28+s8+$0x0], $0xffff;
	v19 =	vand.u32 $0x7F, v1  }
0x4f: {  	v7 =	vld [tilespmem:s20+$0x30];
	[tilespmem:s18+$0x50] =	vst v6;
	v5 =	vmul.f32 $1.280000000e+02, v5;
	v1 =	vtrunc.f32 v12  }
0x50: {  	v18 =	vmul.f32 $1.280000000e+02, v18;
	[tilespmem:s18+$0x20] =	vst v16;
	v16 =	vcvt.f32.s32 v1;
	v9 =	vld.idx.msk [tilespmem:v2+s8+$0x0], $0xffff  }
0x51: {  	[tilespmem:s18+$0xFFFFFFA0] =	vst v61;
	v1 =	vtrunc.f32 v14;
	v14 =	vmul.f32 $1.280000000e+02, v60;
	v12 =	vld.idx.msk [tilespmem:v13+s8+$0x0], $0xffff  }
0x52: {  	[tilespmem:s18+$0x0] =	vst v62;
	v6 =	vtrunc.f32 v5;
	v5 =	vmul.f32 v22, v0;
	v16 =	vand.u32 $0x7F, v16;
	v13 =	vld.idx.msk [tilespmem:v63+s8+$0x0], $0xffff  }
0x53: {  	s21 =	simm.s32 $0x230;
	s20 =	simm.s32 $0xE50;
	s19 =	simm.s32 $0xE50;
	v1 =	vcvt.f32.s32 v1;
	v2 =	vand.u32 $0x7F, v17;
	v17 =	vtrunc.f32 v14;
	[tilespmem:s18+$0xFFFFFFE0] =	vst v20;
	v14 =	vld.idx.msk [tilespmem:v19+s8+$0x0], $0xffff  }
.LBB2_2:
0x54: {  	s17 =	sadd.s32 $0xE0, s17;
	v19 =	vld [tilespmem:s21+$0xFFFFFFF0];
	v10 =	vmul.f32 $1.280000000e+02, v10;
	v7 =	vmul.f32 v7, v0;
	s20 =	sadd.s32 $0xE0, s20;
	[tilespmem:s18+$0xFFFFFFC0] =	vst v11  }
0x55: {  	v11 =	vld [tilespmem:s21+$0xFFFFFFB0];
	s22 =	sand.u32 $0x7E0, s17;
	p0 =	slt.u32 s17, $0x540;
	[tilespmem:s19+$0xFFFFFF90] =	vst v9;
	v9 =	vcvt.f32.s32 v17;
	v17 =	vtrunc.f32 v18  }
0x56: {  	v4 =	vmul.f32 $1.280000000e+02, v4;
	v3 =	vmul.f32 $1.280000000e+02, v3;
	v18 =	vld [tilespmem:s21+$0xFFFFFFD0]  }
0x57: {  	v15 =	vmul.f32 v15, v0;
	v10 =	vtrunc.f32 v10;
	v16 =	vld.idx.msk [tilespmem:v16+s8+$0x0], $0xffff;
	[tilespmem:s18+$0x40] =	vst v12  }
0x58: {  	v8 =	vtrunc.f32 v8;
	v3 =	vtrunc.f32 v3;
	v12 =	vld [tilespmem:s21+$0xFFFFFF90];
	[tilespmem:s18+$0x60] =	vst v13  }
0x59: {  	v3 =	vcvt.f32.s32 v3;
	v15 =	vmul.f32 $1.280000000e+02, v15;
	v13 =	vld [tilespmem:s22+$0x80];
	[tilespmem:s18+$0x30] =	vst v14;
	s18 =	smov.u32 s19;
	s19 =	smov.u32 s20  }
0x5a: {  	v8 =	vcvt.f32.s32 v8;
	v17 =	vcvt.f32.s32 v17;
	v14 =	vld [tilespmem:s21+$0x50]  }
0x5b: {  	v7 =	vmul.f32 $1.280000000e+02, v7;
	v3 =	vand.u32 $0x7F, v3;
	v18 =	vmul.f32 v18, v0;
	v20 =	vld [tilespmem:s21+$0x60]  }
0x5c: {  	v10 =	vcvt.f32.s32 v10;
	v8 =	vand.u32 $0x7F, v8;
	v15 =	vtrunc.f32 v15;
	v21 =	vld [tilespmem:s21+$0x40]  }
0x5d: {  	v22 =	vld [tilespmem:s21+$0xFFFFFFA0];
	v18 =	vmul.f32 $1.280000000e+02, v18;
	[tilespmem:s16+$0xD80] =	vst v16;
	v16 =	vand.u32 $0x7F, v17;
	v17 =	vtrunc.f32 v7;
	s16 =	smov.u32 s22  }
0x5e: {  	v6 =	vcvt.f32.s32 v6;
	v10 =	vand.u32 $0x7F, v10;
	v7 =	vmul.f32 v12, v0;
	v12 =	vld [tilespmem:s21+$0x0]  }
0x5f: {  	v4 =	vtrunc.f32 v4;
	v18 =	vtrunc.f32 v18;
	v2 =	vld.idx.msk [tilespmem:v2+s8+$0x0], $0xffff  }
0x60: {  	v4 =	vcvt.f32.s32 v4;
	v7 =	vmul.f32 $1.280000000e+02, v7;
	v23 =	vld [tilespmem:s21+$0xFFFFFFC0]  }
0x61: {  	v9 =	vand.u32 $0x7F, v9;
	v18 =	vcvt.f32.s32 v18;
	v24 =	vld.idx.msk [tilespmem:v3+s8+$0x0], $0xffff;
	v3 =	vcvt.f32.s32 v15  }
0x62: {  	v25 =	vand.u32 $0x7F, v4;
	v4 =	vmul.f32 $1.280000000e+02, v5;
	v7 =	vtrunc.f32 v7;
	v15 =	vld [tilespmem:s21+$0x20]  }
0x63: {  	v20 =	vmul.f32 v20, v0;
	v5 =	vcvt.f32.s32 v7;
	v26 =	vand.u32 $0x7F, v3;
	v27 =	vld.idx.msk [tilespmem:v10+s8+$0x0], $0xffff  }
0x64: {  	v6 =	vand.u32 $0x7F, v6;
	v3 =	vmul.f32 v11, v0;
	v10 =	vtrunc.f32 v4;
	v16 =	vld.idx.msk [tilespmem:v16+s8+$0x0], $0xffff  }
0x65: {  	v4 =	vmul.f32 v22, v0;
	v11 =	vmul.f32 v13, v0;
	v5 =	vand.u32 $0x7F, v5;
	[tilespmem:s18+$0xFFFFFFD0] =	vst v2;
	v13 =	vld.idx.msk [tilespmem:v8+s8+$0x0], $0xffff  }
0x66: {  	v2 =	vand.u32 $0x7F, v18;
	v8 =	vmul.f32 v14, v0;
	v14 =	vcvt.f32.s32 v10;
	v7 =	vld [tilespmem:s21+$0x30]  }
0x67: {  	v12 =	vmul.f32 v12, v0;
	v18 =	vmul.f32 v23, v0;
	v22 =	vld.idx.msk [tilespmem:v25+s8+$0x0], $0xffff;
	[tilespmem:s18+$0xFFFFFFB0] =	vst v24  }
0x68: {  	v10 =	vmul.f32 v19, v0;
	v14 =	vand.u32 $0x7F, v14;
	v19 =	vld.idx.msk [tilespmem:v9+s8+$0x0], $0xffff;
	v9 =	vcvt.f32.s32 v17  }
0x69: {  	v20 =	vmul.f32 $1.280000000e+02, v20;
	v24 =	vand.u32 $0x7F, v1;
	v17 =	vmul.f32 $1.280000000e+02, v11;
	v23 =	vld.idx.msk [tilespmem:v26+s8+$0x0], $0xffff;
	[tilespmem:s18+$0xFFFFFFF0] =	vst v27  }
0x6a: {  	v1 =	vmul.f32 $1.280000000e+02, v18;
	v8 =	vmul.f32 $1.280000000e+02, v8;
	v11 =	vld.idx.msk [tilespmem:v6+s8+$0x0], $0xffff;
	[tilespmem:s18+$0x20] =	vst v16;
	v25 =	vand.u32 $0x7F, v9  }
.Ltmp0:
0x6b: {  	v18 =	vmul.f32 v15, v0;
	v9 =	vld.idx.msk [tilespmem:v5+s8+$0x0], $0xffff;
	v5 =	vtrunc.f32 v17;
	[tilespmem:s18+$0x50] =	vst v13;
	(pc) =	sbr.rel @p0 .LBB2_2-.Ltmp0, $4  }
0x6c: {  	v13 =	vtrunc.f32 v20;
	v15 =	vld [tilespmem:s21+$0xFFFFFFE0];
	v5 =	vcvt.f32.s32 v5  }
0x6d: {  	v6 =	vtrunc.f32 v1;
	v17 =	vmul.f32 $1.280000000e+02, v12;
	[tilespmem:s18+$0xFFFFFFA0] =	vst v22;
	v12 =	vld.idx.msk [tilespmem:v14+s8+$0x0], $0xffff  }
0x6e: {  	v1 =	vcvt.f32.s32 v13;
	v16 =	vand.u32 $0x7F, v5;
	v5 =	vmul.f32 v21, v0;
	[tilespmem:s18+$0x0] =	vst v19;
	v13 =	vld.idx.msk [tilespmem:v24+s8+$0x0], $0xffff  }
0x6f: {  	v18 =	vmul.f32 $1.280000000e+02, v18;
	s21 =	sadd.s32 $0xE0, s21;
	v17 =	vtrunc.f32 v17;
	[tilespmem:s18+$0xFFFFFFE0] =	vst v23;
	v14 =	vld.idx.msk [tilespmem:v25+s8+$0x0], $0xffff  }
0x70: {  	v10 =	vmul.f32 $1.280000000e+02, v10;
	v7 =	vmul.f32 v7, v0  }
0x71: {  	v3 =	vmul.f32 $1.280000000e+02, v3;
	v4 =	vmul.f32 $1.280000000e+02, v4  }
0x72: {  	v8 =	vtrunc.f32 v8;
	v5 =	vmul.f32 $1.280000000e+02, v5  }
0x73: {  	v6 =	vcvt.f32.s32 v6;
	v18 =	vtrunc.f32 v18  }
0x74: {  	v15 =	vmul.f32 v15, v0;
	v8 =	vcvt.f32.s32 v8  }
0x75: {  	v1 =	vand.u32 $0x7F, v1;
	v3 =	vtrunc.f32 v3;
	v10 =	vtrunc.f32 v10  }
0x76: {  	v18 =	vcvt.f32.s32 v18;
	v4 =	vtrunc.f32 v4;
	v6 =	vand.u32 $0x7F, v6  }
0x77: {  	v7 =	vmul.f32 $1.280000000e+02, v7;
	v3 =	vcvt.f32.s32 v3;
	v8 =	vand.u32 $0x7F, v8  }
0x78: {  	[tilespmem:s18+$0xFFFFFFC0] =	vst v11;
	v11 =	vld.idx.msk [tilespmem:v16+s8+$0x0], $0xffff;
	v15 =	vmul.f32 $1.280000000e+02, v15;
	v4 =	vcvt.f32.s32 v4;
	v18 =	vand.u32 $0x7F, v18  }
0x79: {  	[tilespmem:s19+$0xFFFFFF90] =	vst v9;
	v2 =	vld.idx.msk [tilespmem:v2+s8+$0x0], $0xffff;
	v5 =	vtrunc.f32 v5;
	v10 =	vcvt.f32.s32 v10;
	v3 =	vand.u32 $0x7F, v3  }
0x7a: {  	[tilespmem:s18+$0x40] =	vst v12;
	v5 =	vcvt.f32.s32 v5;
	v15 =	vtrunc.f32 v15;
	v4 =	vand.u32 $0x7F, v4;
	v1 =	vld.idx.msk [tilespmem:v1+s8+$0x0], $0xffff  }
0x7b: {  	[tilespmem:s18+$0x60] =	vst v13;
	v10 =	vand.u32 $0x7F, v10;
	v9 =	vcvt.f32.s32 v15;
	v6 =	vld.idx.msk [tilespmem:v6+s8+$0x0], $0xffff  }
0x7c: {  	v17 =	vcvt.f32.s32 v17;
	[tilespmem:s18+$0x30] =	vst v14;
	v7 =	vtrunc.f32 v7;
	v5 =	vand.u32 $0x7F, v5;
	v8 =	vld.idx.msk [tilespmem:v8+s8+$0x0], $0xffff  }
0x7d: {  	[tilespmem:s16+$0xD80] =	vst v11;
	v7 =	vcvt.f32.s32 v7;
	v9 =	vand.u32 $0x7F, v9;
	v13 =	vld.idx.msk [tilespmem:v18+s8+$0x0], $0xffff  }
0x7e: {  	v12 =	vand.u32 $0x7F, v17;
	[tilespmem:s19+$0xFFFFFFD0] =	vst v2;
	v3 =	vld.idx.msk [tilespmem:v3+s8+$0x0], $0xffff  }
0x7f: {  	v2 =	vld.idx.msk [tilespmem:v4+s8+$0x0], $0xffff;
	v4 =	vand.u32 $0x7F, v7;
	[tilespmem:s19+$0x60] =	vst v1  }
0x80: {  	v10 =	vld.idx.msk [tilespmem:v10+s8+$0x0], $0xffff;
	[tilespmem:s19+$0xFFFFFFC0] =	vst v6  }
0x81: {  	v5 =	vld.idx.msk [tilespmem:v5+s8+$0x0], $0xffff;
	[tilespmem:s19+$0x50] =	vst v8  }
0x82: {  	v7 =	vld.idx.msk [tilespmem:v9+s8+$0x0], $0xffff;
	[tilespmem:s19+$0x20] =	vst v13  }
0x83: {  	[tilespmem:s19+$0xFFFFFFB0] =	vst v3;
	v3 =	vld.idx.msk [tilespmem:v12+s8+$0x0], $0xffff  }
0x84: {  	[tilespmem:s19+$0xFFFFFFA0] =	vst v2;
	v2 =	vld.idx.msk [tilespmem:v4+s8+$0x0], $0xffff  }
0x85: {  	[tilespmem:s19+$0xFFFFFFF0] =	vst v10  }
0x86: {  	[tilespmem:s19+$0x40] =	vst v5  }
0x87: {  	[tilespmem:s19+$0xFFFFFFE0] =	vst v7  }
0x88: {  	[tilespmem:s19+$0x0] =	vst v3  }
0x89: {  	[tilespmem:s19+$0x30] =	vst v2  }
0x8a: {  	_ =	swait.ge [sflag:s12], $0x620  }
0x8b: {  	[sflag:s12] =	ssyncset.done $0x0  }
0x8c: {  	s30 =	simm.s32 $0x6F0;
	[sflag:s12] =	ssyncadd.s32 $0xFFFFF9E0  }
0x8d: {  	v1 =	vld [tilespmem:s30+$0xFFFFFF70]  }
0x8e: {  	v2 =	vld [tilespmem:s30+$0xFFFFFF30]  }
0x8f: {  	s17 =	simm.s32 $0x620;
	v3 =	vld [tilespmem:s30+$0xFFFFFF90]  }
0x90: {  	s31 =	sand.u32 $0xFE0, s17;
	v4 =	vld [tilespmem:s30+$0xFFFFFF50]  }
0x91: {  	v5 =	vld [tilespmem:s31+$0x80]  }
0x92: {  	v6 =	vld [tilespmem:s30+$0xFFFFFFF0]  }
0x93: {  	v7 =	vld [tilespmem:s30+$0x0]  }
0x94: {  	v8 =	vld [tilespmem:s30+$0xFFFFFF40]  }
0x95: {  	v9 =	vld [tilespmem:s30+$0xFFFFFF60]  }
0x96: {  	v10 =	vld [tilespmem:s30+$0xFFFFFFA0]  }
0x97: {  	v11 =	vld [tilespmem:s30+$0xFFFFFFC0]  }
0x98: {  	v12 =	vld [tilespmem:s30+$0xFFFFFFE0]  }
0x99: {  	v13 =	vld [tilespmem:s30+$0xFFFFFFD0]  }
0x9a: {  	s20 =	simm.s32 $0x7D0;
	v14 =	vld [tilespmem:s30+$0xFFFFFF80];
	v1 =	vmul.f32 v1, v0  }
0x9b: {  	v17 =	vld [tilespmem:s20+$0xFFFFFF70];
	v2 =	vmul.f32 v2, v0;
	v7 =	vmul.f32 v7, v0  }
0x9c: {  	v18 =	vld [tilespmem:s20+$0xFFFFFF30];
	v4 =	vmul.f32 v4, v0;
	v8 =	vmul.f32 v8, v0  }
0x9d: {  	v24 =	vld [tilespmem:s20+$0xFFFFFFA0];
	v5 =	vmul.f32 v5, v0;
	v6 =	vmul.f32 v6, v0  }
0x9e: {  	v9 =	vmul.f32 v9, v0;
	v10 =	vmul.f32 v10, v0  }
0x9f: {  	v3 =	vmul.f32 v3, v0;
	v11 =	vmul.f32 v11, v0  }
0xa0: {  	v12 =	vmul.f32 v12, v0;
	v13 =	vmul.f32 v13, v0  }
0xa1: {  	v14 =	vmul.f32 v14, v0;
	v17 =	vmul.f32 v17, v0  }
0xa2: {  	v18 =	vmul.f32 v18, v0;
	v60 =	vmul.f32 v24, v0  }
0xa3: {  	v1 =	vmul.f32 $1.280000000e+02, v1;
	v2 =	vmul.f32 $1.280000000e+02, v2  }
0xa4: {  	v5 =	vmul.f32 $1.280000000e+02, v5;
	v7 =	vmul.f32 $1.280000000e+02, v7  }
0xa5: {  	v9 =	vmul.f32 $1.280000000e+02, v9;
	v6 =	vmul.f32 $1.280000000e+02, v6  }
0xa6: {  	v10 =	vmul.f32 $1.280000000e+02, v10;
	v3 =	vmul.f32 $1.280000000e+02, v3  }
0xa7: {  	v8 =	vmul.f32 $1.280000000e+02, v8;
	v4 =	vmul.f32 $1.280000000e+02, v4  }
0xa8: {  	v14 =	vmul.f32 $1.280000000e+02, v14;
	v13 =	vmul.f32 $1.280000000e+02, v13  }
0xa9: {  	v17 =	vmul.f32 $1.280000000e+02, v17;
	v18 =	vmul.f32 $1.280000000e+02, v18  }
0xaa: {  	v12 =	vmul.f32 $1.280000000e+02, v12;
	v1 =	vtrunc.f32 v1  }
0xab: {  	s17 =	simm.s32 $0x700;
	v2 =	vtrunc.f32 v2;
	v5 =	vtrunc.f32 v5  }
0xac: {  	s16 =	sand.u32 $0xFE0, s17;
	v16 =	vld [tilespmem:s20+$0xFFFFFF50];
	v7 =	vtrunc.f32 v7;
	v9 =	vtrunc.f32 v9  }
0xad: {  	v19 =	vld [tilespmem:s16+$0x80];
	v3 =	vtrunc.f32 v3;
	v4 =	vtrunc.f32 v4  }
0xae: {  	v20 =	vld [tilespmem:s20+$0xFFFFFFF0];
	v6 =	vtrunc.f32 v6;
	v2 =	vcvt.f32.s32 v2  }
0xaf: {  	v21 =	vld [tilespmem:s20+$0x0];
	v1 =	vcvt.f32.s32 v1;
	v5 =	vcvt.f32.s32 v5  }
0xb0: {  	v22 =	vld [tilespmem:s20+$0xFFFFFFE0];
	v15 =	vcvt.f32.s32 v7;
	v7 =	vtrunc.f32 v10;
	v2 =	vand.u32 $0x7F, v2  }
0xb1: {  	v23 =	vld [tilespmem:s20+$0xFFFFFF40];
	v10 =	vmul.f32 $1.280000000e+02, v11;
	v4 =	vcvt.f32.s32 v4;
	v5 =	vand.u32 $0x7F, v5  }
0xb2: {  	v25 =	vld [tilespmem:s20+$0xFFFFFF60];
	v14 =	vtrunc.f32 v14;
	v3 =	vcvt.f32.s32 v3;
	v1 =	vand.u32 $0x7F, v1  }
0xb3: {  	v13 =	vtrunc.f32 v13;
	v11 =	vld [tilespmem:s20+$0xFFFFFF90];
	v10 =	vtrunc.f32 v10;
	v4 =	vand.u32 $0x7F, v4  }
0xb4: {  	v3 =	vand.u32 $0x7F, v3;
	v63 =	vand.u32 $0x7F, v15;
	v15 =	vld [tilespmem:s20+$0xFFFFFF80];
	v10 =	vcvt.f32.s32 v10  }
0xb5: {  	v8 =	vtrunc.f32 v8;
	v6 =	vcvt.f32.s32 v6;
	v2 =	vld.idx.msk [tilespmem:v2+s8+$0x0], $0xffff  }
0xb6: {  	v17 =	vtrunc.f32 v17;
	v8 =	vcvt.f32.s32 v8;
	v10 =	vand.u32 $0x7F, v10;
	v5 =	vld.idx.msk [tilespmem:v5+s8+$0x0], $0xffff  }
0xb7: {  	v9 =	vcvt.f32.s32 v9;
	v7 =	vcvt.f32.s32 v7;
	v6 =	vand.u32 $0x7F, v6;
	v1 =	vld.idx.msk [tilespmem:v1+s8+$0x0], $0xffff  }
0xb8: {  	v17 =	vcvt.f32.s32 v17;
	v8 =	vand.u32 $0x7F, v8;
	v26 =	vld.idx.msk [tilespmem:v4+s8+$0x0], $0xffff;
	v4 =	vcvt.f32.s32 v14  }
0xb9: {  	v27 =	vand.u32 $0x7F, v7;
	v14 =	vtrunc.f32 v18;
	v59 =	vld.idx.msk [tilespmem:v3+s8+$0x0], $0xffff;
	v3 =	vmul.f32 v16, v0  }
0xba: {  	v9 =	vand.u32 $0x7F, v9;
	v18 =	vld [tilespmem:s20+$0xFFFFFFC0];
	v7 =	vcvt.f32.s32 v14;
	v14 =	vmul.f32 v21, v0  }
0xbb: {  	s18 =	simm.s32 $0x13F0;
	v28 =	vand.u32 $0x7F, v4;
	v16 =	vld.idx.msk [tilespmem:v10+s8+$0x0], $0xffff;
	v10 =	vtrunc.f32 v12;
	v12 =	vmul.f32 v19, v0  }
0xbc: {  	v6 =	vld.idx.msk [tilespmem:v6+s8+$0x0], $0xffff;
	v19 =	vmul.f32 v20, v0;
	v20 =	vcvt.f32.s32 v10;
	[tilespmem:s18+$0xFFFFFF30] =	vst v2  }
0xbd: {  	v61 =	vld.idx.msk [tilespmem:v8+s8+$0x0], $0xffff;
	v4 =	vmul.f32 v23, v0;
	v14 =	vmul.f32 $1.280000000e+02, v14;
	v2 =	vand.u32 $0x7F, v7;
	[tilespmem:s31+$0xD80] =	vst v5  }
0xbe: {  	v62 =	vld.idx.msk [tilespmem:v27+s8+$0x0], $0xffff;
	v10 =	vmul.f32 v11, v0;
	[tilespmem:s18+$0xFFFFFF70] =	vst v1;
	v1 =	vcvt.f32.s32 v13;
	v13 =	vand.u32 $0x7F, v20  }
0xbf: {  	v11 =	vld.idx.msk [tilespmem:v9+s8+$0x0], $0xffff;
	v5 =	vmul.f32 v25, v0;
	[tilespmem:s18+$0xFFFFFF50] =	vst v26;
	v12 =	vmul.f32 $1.280000000e+02, v12  }
0xc0: {  	[tilespmem:s18+$0xFFFFFF90] =	vst v59;
	v8 =	vmul.f32 $1.280000000e+02, v19;
	v18 =	vmul.f32 v18, v0;
	v20 =	vld.idx.msk [tilespmem:v28+s8+$0x0], $0xffff;
	v19 =	vand.u32 $0x7F, v1  }
0xc1: {  	v7 =	vld [tilespmem:s20+$0xFFFFFFD0];
	[tilespmem:s18+$0xFFFFFFF0] =	vst v6;
	v5 =	vmul.f32 $1.280000000e+02, v5;
	v1 =	vtrunc.f32 v12  }
0xc2: {  	v18 =	vmul.f32 $1.280000000e+02, v18;
	[tilespmem:s18+$0xFFFFFFC0] =	vst v16;
	v16 =	vcvt.f32.s32 v1;
	v9 =	vld.idx.msk [tilespmem:v2+s8+$0x0], $0xffff  }
0xc3: {  	[tilespmem:s18+$0xFFFFFF40] =	vst v61;
	v1 =	vtrunc.f32 v14;
	v14 =	vmul.f32 $1.280000000e+02, v60;
	v12 =	vld.idx.msk [tilespmem:v13+s8+$0x0], $0xffff  }
0xc4: {  	[tilespmem:s18+$0xFFFFFFA0] =	vst v62;
	v6 =	vtrunc.f32 v5;
	v5 =	vmul.f32 v22, v0;
	v16 =	vand.u32 $0x7F, v16;
	v13 =	vld.idx.msk [tilespmem:v63+s8+$0x0], $0xffff  }
0xc5: {  	s21 =	simm.s32 $0x8B0;
	s19 =	simm.s32 $0x14D0;
	s20 =	simm.s32 $0x14D0;
	v1 =	vcvt.f32.s32 v1;
	v2 =	vand.u32 $0x7F, v17;
	v17 =	vtrunc.f32 v14;
	[tilespmem:s18+$0xFFFFFF80] =	vst v20;
	v14 =	vld.idx.msk [tilespmem:v19+s8+$0x0], $0xffff  }
.LBB2_4:
0xc6: {  	s17 =	sadd.s32 $0xE0, s17;
	v19 =	vld [tilespmem:s21+$0xFFFFFF90];
	v10 =	vmul.f32 $1.280000000e+02, v10;
	v7 =	vmul.f32 v7, v0;
	s20 =	sadd.s32 $0xE0, s20;
	[tilespmem:s18+$0xFFFFFF60] =	vst v11  }
0xc7: {  	v11 =	vld [tilespmem:s21+$0xFFFFFF50];
	s22 =	sand.u32 $0xFE0, s17;
	p0 =	slt.u32 s17, $0xB60;
	[tilespmem:s19+$0xFFFFFF30] =	vst v9;
	v9 =	vcvt.f32.s32 v17;
	v17 =	vtrunc.f32 v18  }
0xc8: {  	v4 =	vmul.f32 $1.280000000e+02, v4;
	v3 =	vmul.f32 $1.280000000e+02, v3;
	v18 =	vld [tilespmem:s21+$0xFFFFFF70]  }
0xc9: {  	v15 =	vmul.f32 v15, v0;
	v10 =	vtrunc.f32 v10;
	v16 =	vld.idx.msk [tilespmem:v16+s8+$0x0], $0xffff;
	[tilespmem:s18+$0xFFFFFFE0] =	vst v12  }
0xca: {  	v8 =	vtrunc.f32 v8;
	v3 =	vtrunc.f32 v3;
	v12 =	vld [tilespmem:s21+$0xFFFFFF30];
	[tilespmem:s18+$0x0] =	vst v13  }
0xcb: {  	v3 =	vcvt.f32.s32 v3;
	v15 =	vmul.f32 $1.280000000e+02, v15;
	v13 =	vld [tilespmem:s22+$0x80];
	[tilespmem:s18+$0xFFFFFFD0] =	vst v14;
	s18 =	smov.u32 s19;
	s19 =	smov.u32 s20  }
0xcc: {  	v8 =	vcvt.f32.s32 v8;
	v17 =	vcvt.f32.s32 v17;
	v14 =	vld [tilespmem:s21+$0xFFFFFFF0]  }
0xcd: {  	v7 =	vmul.f32 $1.280000000e+02, v7;
	v3 =	vand.u32 $0x7F, v3;
	v18 =	vmul.f32 v18, v0;
	v20 =	vld [tilespmem:s21+$0x0]  }
0xce: {  	v10 =	vcvt.f32.s32 v10;
	v8 =	vand.u32 $0x7F, v8;
	v15 =	vtrunc.f32 v15;
	v21 =	vld [tilespmem:s21+$0xFFFFFFE0]  }
0xcf: {  	v22 =	vld [tilespmem:s21+$0xFFFFFF40];
	v18 =	vmul.f32 $1.280000000e+02, v18;
	[tilespmem:s16+$0xD80] =	vst v16;
	v16 =	vand.u32 $0x7F, v17;
	v17 =	vtrunc.f32 v7;
	s16 =	smov.u32 s22  }
0xd0: {  	v6 =	vcvt.f32.s32 v6;
	v10 =	vand.u32 $0x7F, v10;
	v7 =	vmul.f32 v12, v0;
	v12 =	vld [tilespmem:s21+$0xFFFFFFA0]  }
0xd1: {  	v4 =	vtrunc.f32 v4;
	v18 =	vtrunc.f32 v18;
	v2 =	vld.idx.msk [tilespmem:v2+s8+$0x0], $0xffff  }
0xd2: {  	v4 =	vcvt.f32.s32 v4;
	v7 =	vmul.f32 $1.280000000e+02, v7;
	v23 =	vld [tilespmem:s21+$0xFFFFFF60]  }
0xd3: {  	v9 =	vand.u32 $0x7F, v9;
	v18 =	vcvt.f32.s32 v18;
	v24 =	vld.idx.msk [tilespmem:v3+s8+$0x0], $0xffff;
	v3 =	vcvt.f32.s32 v15  }
0xd4: {  	v25 =	vand.u32 $0x7F, v4;
	v4 =	vmul.f32 $1.280000000e+02, v5;
	v7 =	vtrunc.f32 v7;
	v15 =	vld [tilespmem:s21+$0xFFFFFFC0]  }
0xd5: {  	v20 =	vmul.f32 v20, v0;
	v5 =	vcvt.f32.s32 v7;
	v26 =	vand.u32 $0x7F, v3;
	v27 =	vld.idx.msk [tilespmem:v10+s8+$0x0], $0xffff  }
0xd6: {  	v6 =	vand.u32 $0x7F, v6;
	v3 =	vmul.f32 v11, v0;
	v10 =	vtrunc.f32 v4;
	v16 =	vld.idx.msk [tilespmem:v16+s8+$0x0], $0xffff  }
0xd7: {  	v4 =	vmul.f32 v22, v0;
	v11 =	vmul.f32 v13, v0;
	v5 =	vand.u32 $0x7F, v5;
	[tilespmem:s18+$0xFFFFFF70] =	vst v2;
	v13 =	vld.idx.msk [tilespmem:v8+s8+$0x0], $0xffff  }
0xd8: {  	v2 =	vand.u32 $0x7F, v18;
	v8 =	vmul.f32 v14, v0;
	v14 =	vcvt.f32.s32 v10;
	v7 =	vld [tilespmem:s21+$0xFFFFFFD0]  }
0xd9: {  	v12 =	vmul.f32 v12, v0;
	v18 =	vmul.f32 v23, v0;
	v22 =	vld.idx.msk [tilespmem:v25+s8+$0x0], $0xffff;
	[tilespmem:s18+$0xFFFFFF50] =	vst v24  }
0xda: {  	v10 =	vmul.f32 v19, v0;
	v14 =	vand.u32 $0x7F, v14;
	v19 =	vld.idx.msk [tilespmem:v9+s8+$0x0], $0xffff;
	v9 =	vcvt.f32.s32 v17  }
0xdb: {  	v20 =	vmul.f32 $1.280000000e+02, v20;
	v24 =	vand.u32 $0x7F, v1;
	v17 =	vmul.f32 $1.280000000e+02, v11;
	v23 =	vld.idx.msk [tilespmem:v26+s8+$0x0], $0xffff;
	[tilespmem:s18+$0xFFFFFF90] =	vst v27  }
0xdc: {  	v1 =	vmul.f32 $1.280000000e+02, v18;
	v8 =	vmul.f32 $1.280000000e+02, v8;
	v11 =	vld.idx.msk [tilespmem:v6+s8+$0x0], $0xffff;
	[tilespmem:s18+$0xFFFFFFC0] =	vst v16;
	v25 =	vand.u32 $0x7F, v9  }
.Ltmp1:
0xdd: {  	v18 =	vmul.f32 v15, v0;
	v9 =	vld.idx.msk [tilespmem:v5+s8+$0x0], $0xffff;
	v5 =	vtrunc.f32 v17;
	[tilespmem:s18+$0xFFFFFFF0] =	vst v13;
	(pc) =	sbr.rel @p0 .LBB2_4-.Ltmp1, $4  }
0xde: {  	v13 =	vtrunc.f32 v20;
	v15 =	vld [tilespmem:s21+$0xFFFFFF80];
	v5 =	vcvt.f32.s32 v5  }
0xdf: {  	v6 =	vtrunc.f32 v1;
	v17 =	vmul.f32 $1.280000000e+02, v12;
	[tilespmem:s18+$0xFFFFFF40] =	vst v22;
	v12 =	vld.idx.msk [tilespmem:v14+s8+$0x0], $0xffff  }
0xe0: {  	v1 =	vcvt.f32.s32 v13;
	v16 =	vand.u32 $0x7F, v5;
	v5 =	vmul.f32 v21, v0;
	[tilespmem:s18+$0xFFFFFFA0] =	vst v19;
	v13 =	vld.idx.msk [tilespmem:v24+s8+$0x0], $0xffff  }
0xe1: {  	v18 =	vmul.f32 $1.280000000e+02, v18;
	s21 =	sadd.s32 $0xE0, s21;
	v17 =	vtrunc.f32 v17;
	[tilespmem:s18+$0xFFFFFF80] =	vst v23;
	v14 =	vld.idx.msk [tilespmem:v25+s8+$0x0], $0xffff  }
0xe2: {  	v10 =	vmul.f32 $1.280000000e+02, v10;
	v7 =	vmul.f32 v7, v0  }
0xe3: {  	v3 =	vmul.f32 $1.280000000e+02, v3;
	v4 =	vmul.f32 $1.280000000e+02, v4  }
0xe4: {  	v8 =	vtrunc.f32 v8;
	v5 =	vmul.f32 $1.280000000e+02, v5  }
0xe5: {  	v6 =	vcvt.f32.s32 v6;
	v18 =	vtrunc.f32 v18  }
0xe6: {  	v15 =	vmul.f32 v15, v0;
	v8 =	vcvt.f32.s32 v8  }
0xe7: {  	v1 =	vand.u32 $0x7F, v1;
	v3 =	vtrunc.f32 v3;
	v10 =	vtrunc.f32 v10  }
0xe8: {  	v18 =	vcvt.f32.s32 v18;
	v4 =	vtrunc.f32 v4;
	v6 =	vand.u32 $0x7F, v6  }
0xe9: {  	v7 =	vmul.f32 $1.280000000e+02, v7;
	v3 =	vcvt.f32.s32 v3;
	v8 =	vand.u32 $0x7F, v8  }
0xea: {  	[tilespmem:s18+$0xFFFFFF60] =	vst v11;
	v58 =	vld.idx.msk [tilespmem:v16+s8+$0x0], $0xffff;
	v15 =	vmul.f32 $1.280000000e+02, v15;
	v4 =	vcvt.f32.s32 v4;
	v18 =	vand.u32 $0x7F, v18  }
0xeb: {  	[tilespmem:s19+$0xFFFFFF30] =	vst v9;
	v2 =	vld.idx.msk [tilespmem:v2+s8+$0x0], $0xffff;
	v5 =	vtrunc.f32 v5;
	v10 =	vcvt.f32.s32 v10;
	v3 =	vand.u32 $0x7F, v3  }
0xec: {  	[tilespmem:s18+$0xFFFFFFE0] =	vst v12;
	v5 =	vcvt.f32.s32 v5;
	v15 =	vtrunc.f32 v15;
	v4 =	vand.u32 $0x7F, v4;
	v1 =	vld.idx.msk [tilespmem:v1+s8+$0x0], $0xffff  }
0xed: {  	[tilespmem:s18+$0x0] =	vst v13;
	v10 =	vand.u32 $0x7F, v10;
	v59 =	vcvt.f32.s32 v15;
	v6 =	vld.idx.msk [tilespmem:v6+s8+$0x0], $0xffff  }
0xee: {  	v17 =	vcvt.f32.s32 v17;
	[tilespmem:s18+$0xFFFFFFD0] =	vst v14;
	v7 =	vtrunc.f32 v7;
	v5 =	vand.u32 $0x7F, v5;
	v8 =	vld.idx.msk [tilespmem:v8+s8+$0x0], $0xffff  }
0xef: {  	[tilespmem:s16+$0xD80] =	vst v58;
	v7 =	vcvt.f32.s32 v7;
	v9 =	vand.u32 $0x7F, v59;
	v61 =	vld.idx.msk [tilespmem:v18+s8+$0x0], $0xffff  }
0xf0: {  	v60 =	vand.u32 $0x7F, v17;
	[tilespmem:s19+$0xFFFFFF70] =	vst v2;
	v3 =	vld.idx.msk [tilespmem:v3+s8+$0x0], $0xffff  }
0xf1: {  	v62 =	vand.u32 $0x7F, v7;
	v2 =	vld.idx.msk [tilespmem:v4+s8+$0x0], $0xffff;
	[tilespmem:s19+$0x0] =	vst v1  }
0xf2: {  	v10 =	vld.idx.msk [tilespmem:v10+s8+$0x0], $0xffff;
	[tilespmem:s19+$0xFFFFFF60] =	vst v6  }
0xf3: {  	v5 =	vld.idx.msk [tilespmem:v5+s8+$0x0], $0xffff;
	[tilespmem:s19+$0xFFFFFFF0] =	vst v8  }
0xf4: {  	v63 =	vld.idx.msk [tilespmem:v9+s8+$0x0], $0xffff;
	[tilespmem:s19+$0xFFFFFFC0] =	vst v61  }
0xf5: {  	[tilespmem:s19+$0xFFFFFF50] =	vst v3;
	v3 =	vld.idx.msk [tilespmem:v60+s8+$0x0], $0xffff  }
0xf6: {  	[tilespmem:s19+$0xFFFFFF40] =	vst v2;
	v2 =	vld.idx.msk [tilespmem:v62+s8+$0x0], $0xffff  }
0xf7: {  	[tilespmem:s19+$0xFFFFFF90] =	vst v10  }
0xf8: {  	[tilespmem:s19+$0xFFFFFFE0] =	vst v5  }
0xf9: {  	s15 =	sadd.s32 $0x1, s15;
	[tilespmem:s19+$0xFFFFFF80] =	vst v63  }
0xfa: {  	p0 =	sne.s32 s15, s7;
	[tilespmem:s19+$0xFFFFFFA0] =	vst v3  }
.Ltmp2:
0xfb: {  	[tilespmem:s19+$0xFFFFFFD0] =	vst v2;
	(pc) =	sbr.rel @p0 .LBB2_1-.Ltmp2, $4  }
0xfc: {  	[hbm4b:s6+s3] =	stream.linear.scatter [tilespmem:s13], [sflag:$0x4], $0xC40, $0x38;
	[tilespmem:$0x1980] =	vst v63  }
0xfd: {  	_ =	swait.ge [sflag:s14], $0xC40  }
0xfe: {  	[sflag:s14] =	ssyncset.done $0x0  }
0xff: {  	[sflag:s14] =	ssyncadd.s32 $0xFFFFF3C0  }
0x100: {  	_ =	sfence.sel $0x180000  }
0x101: {  	[bflag:$0x0] =	sbarrier.arrive $0xFFFF  }
0x102: {  	p0 =	sne.s32 s2, $0x0;
	_ =	strace $0x90000047  }
0x103: {  	s0 =	sadd.s32 @!p0 $0x100000, s0;
	[bflag:$0x2] =	sbarrier.arrive $0xFFFF  }
0x104: {  	[sflag:s0] =	ssyncadd.tile.s32 @!p0 $0x1;
	_ =	shalt  }
.Lfunc_end2:
_tile_overlayer_lowered:
.L_overlay_start_2:
0x105: {  	(tag) =	ssettag $0x2  }
0x106: {  	s0 =	rddreg [dreg:$0x0];
	s2 =	stileid.u32  }
0x107: {  	s1 =	rddreg [dreg:$0x1];
	p0 =	sne.s32 s2, $0x0  }
0x108: {  	s3 =	rddreg [dreg:$0x2];
	[bflag:$0x3] =	sbarrier.arrive $0xFFFF;
	s2 =	simm.s32 @!p0 $0x1C04  }
0x109: {  	[timem:s3], [sflag:s2] =	dma.local @!p0 [hbm:s0], s1  }
0x10a: {  	s0 =	simm.s32 @!p0 $0x4  }
0x10b: {  	_ =	swait.ge @!p0 [sflag:s0], s1  }
0x10c: {  	s1 =	ssub.s32 @!p0 $0x0, s1;
	[sflag:s0] =	ssyncset.done @!p0 $0x0  }
0x10d: {  	[sflag:s0] =	ssyncadd.s32 @!p0 s1  }
0x10e: {  	[bflag:$0x3] =	sbarrier.arrive $0xFFFF  }
0x10f: {  	_ =	shalt  }

</sc_bundles>
